<compile_context>
chip_gen: v7x
topology: tpu7x:2x2x1
jax: 0.10.2.dev20260603
libtpu: 0.0.44.dev20260713+nightly
codegen_flags: <defaults>
</compile_context>

<pallas_src>
import jax
import jax.numpy as jnp
from jax import lax
from jax.experimental import pallas as pl
from jax.experimental.pallas import tpu as pltpu
from jax.experimental.pallas import tpu_sc as plsc

IN_ROWS = 100001
D = 128
B = 4096
S = 200

NC = 2
NS = 16
NW = NC * NS
N = B * S
PER_W = N // NW
BLK = 128
NBLK = PER_W // BLK
NSLOT = 4
LEAD = NSLOT // 2
DRAIN = NSLOT - LEAD


def _body(x_hbm, table_hbm, out_hbm, idx_v, *rest):
    gat = rest[:NSLOT]
    semg = rest[NSLOT:2 * NSLOT]
    semo = rest[2 * NSLOT:]
    wid = lax.axis_index("s") * NC + lax.axis_index("c")
    base = wid * PER_W

    pltpu.sync_copy(x_hbm.at[pl.ds(base, PER_W)], idx_v)

    def issue_gather(b, slot):
        pltpu.async_copy(
            table_hbm.at[idx_v.at[pl.ds(b * BLK, BLK)]], gat[slot],
            semg[slot])

    def wait_gather(slot):
        pltpu.make_async_copy(
            table_hbm.at[idx_v.at[pl.ds(0, BLK)]], gat[slot],
            semg[slot]).wait()

    def issue_out(b, slot):
        pltpu.async_copy(
            gat[slot], out_hbm.at[pl.ds(base + b * BLK, BLK)], semo[slot])

    def wait_out(slot):
        pltpu.make_async_copy(
            gat[slot], out_hbm.at[pl.ds(base, BLK)], semo[slot]).wait()

    for k in range(LEAD):
        issue_gather(k, k)

    def step_body(i, carry):
        for e in range(NSLOT):
            b = i * NSLOT + e
            nslot = (e + LEAD) % NSLOT
            wait_gather(e)
            issue_out(b, e)

            @pl.when(b >= DRAIN)
            def _():
                wait_out(nslot)

            @pl.when(b < NBLK - LEAD)
            def _():
                issue_gather(b + LEAD, nslot)
        return carry

    lax.fori_loop(0, NBLK // NSLOT, step_body, 0, unroll=False)
    for k in range(DRAIN):
        wait_out((NBLK - DRAIN + k) % NSLOT)


def kernel(x, table):
    xf = x.astype(jnp.int32).reshape(N)
    run = pl.kernel(
        _body,
        out_type=jax.ShapeDtypeStruct((N, D), jnp.float32),
        mesh=plsc.VectorSubcoreMesh(core_axis_name="c", subcore_axis_name="s"),
        compiler_params=pltpu.CompilerParams(needs_layout_passes=False),
        scratch_types=(
            [pltpu.VMEM((PER_W,), jnp.int32)]
            + [pltpu.VMEM((BLK, D), jnp.float32) for _ in range(NSLOT)]
            + [pltpu.SemaphoreType.DMA for _ in range(2 * NSLOT)]
        ),
    )
    emb = run(xf, table)
    return jnp.swapaxes(emb.reshape(B, S, D), -1, -2)

# --- scband reference (transcript-rebuilt; emitter-appended) ---
"""Pipeline reference for scband-base-encoder-8589934784 (READ-ONLY COPY).

The authoritative reference and input builder live on the scoring server;
editing this copy changes nothing except your own understanding.
"""

import jax, jax.numpy as jnp
import numpy as np

IN_DIM = 100000
OUT_DIM = 128
BATCH = 4096
SEQ = 200


def setup_inputs(seed: int = 0) -> dict:
    key = jax.random.key(seed)
    k1, k2 = jax.random.split(key)
    x = jax.random.randint(k1, (BATCH, SEQ), 0, IN_DIM + 1)
    # Xavier-uniform init for the embedding table [in_dim+1, out_dim]
    fan_in, fan_out = IN_DIM + 1, OUT_DIM
    a = float(np.sqrt(6.0 / (fan_in + fan_out)))
    table = jax.random.uniform(k2, (IN_DIM + 1, OUT_DIM), dtype=jnp.float32, minval=-a, maxval=a)
    # padding_idx=0 -> row 0 is zero
    table = table.at[0].set(jnp.zeros((OUT_DIM,), dtype=jnp.float32))
    return {"x": x, "table": table}


def reference(x, table):
    # nn.Embedding lookup (dropout is identity in eval mode)
    emb = jnp.take(table, x, axis=0)  # [B, S, D]
    # 2d input -> transpose last two dims: [B, D, S]
    return jnp.swapaxes(emb, -1, -2)

if __name__ == "__main__":
    import jax
    _d = setup_inputs()
    print(jax.jit(kernel)(*tuple(_d.values())))

</pallas_src>

<mosaic_0001>
#map = affine_map<(d0, d1) -> (0)>
#map1 = affine_map<(d0, d1) -> (0, 0)>
module attributes {stable_mosaic.version = 14 : i64} {
  func.func @_body(%arg0: i32, %arg1: i32, %arg2: memref<819200xi32, #tpu.memory_space<hbm>>, %arg3: memref<100001x128xf32, #tpu.memory_space<hbm>>, %arg4: memref<819200x128xf32, #tpu.memory_space<hbm>>, %arg5: memref<25600xi32, #tpu.memory_space<vmem>>, %arg6: memref<128x128xf32, #tpu.memory_space<vmem>>, %arg7: memref<128x128xf32, #tpu.memory_space<vmem>>, %arg8: memref<128x128xf32, #tpu.memory_space<vmem>>, %arg9: memref<128x128xf32, #tpu.memory_space<vmem>>, %arg10: memref<!tpu.dma_semaphore, #tpu.memory_space<semaphore_mem>>, %arg11: memref<!tpu.dma_semaphore, #tpu.memory_space<semaphore_mem>>, %arg12: memref<!tpu.dma_semaphore, #tpu.memory_space<semaphore_mem>>, %arg13: memref<!tpu.dma_semaphore, #tpu.memory_space<semaphore_mem>>, %arg14: memref<!tpu.dma_semaphore, #tpu.memory_space<semaphore_mem>>, %arg15: memref<!tpu.dma_semaphore, #tpu.memory_space<semaphore_mem>>, %arg16: memref<!tpu.dma_semaphore, #tpu.memory_space<semaphore_mem>>, %arg17: memref<!tpu.dma_semaphore, #tpu.memory_space<semaphore_mem>>) attributes {dimension_semantics = [#tpu.dimension_semantics<core_parallel>, #tpu.dimension_semantics<subcore_parallel>], iteration_bounds = array<i64: 2, 16>, scalar_prefetch = 0 : i64, scratch_operands = 13 : i64, tpu.core_type = #tpu.core_type<sc_vector_subcore>, window_params = [{transform_indices = #map}, {transform_indices = #map1}, {transform_indices = #map1}]} {
    %mul3A = arith.constant 2 : i32
    %mul3A_0 = arith.muli %arg1, %mul3A : i32
    %add3A = arith.addi %mul3A_0, %arg0 : i32
    %mul3A_1 = arith.constant 25600 : i32
    %mul3A_2 = arith.muli %add3A, %mul3A_1 : i32
    "tpu.region"() ({
      %run_scoped3A = tpu.sem_alloc : memref<!tpu.dma_semaphore, #tpu.memory_space<semaphore_mem>>
      %dma_start3A_24 = tpu.memref_slice %arg2[%mul3A_2] : memref<819200xi32, #tpu.memory_space<hbm>> -> memref<25600xi32, #tpu.memory_space<hbm>>
      %dma_start3A_25 = tpu.memref_slice %arg2[%mul3A_2] : memref<819200xi32, #tpu.memory_space<hbm>> -> memref<25600xi32, #tpu.memory_space<hbm>>
      tpu.enqueue_dma source(%dma_start3A_25 : memref<25600xi32, #tpu.memory_space<hbm>>) target(%arg5 : memref<25600xi32, #tpu.memory_space<vmem>>) target_semaphore(%run_scoped3A : memref<!tpu.dma_semaphore, #tpu.memory_space<semaphore_mem>>)
      %dma_wait3A_26 = tpu.memref_slice %arg2[%mul3A_2] : memref<819200xi32, #tpu.memory_space<hbm>> -> memref<25600xi32, #tpu.memory_space<hbm>>
      %dma_wait3A_27 = tpu.memref_slice %arg2[%mul3A_2] : memref<819200xi32, #tpu.memory_space<hbm>> -> memref<25600xi32, #tpu.memory_space<hbm>>
      tpu.wait_dma2 semaphore(%run_scoped3A : memref<!tpu.dma_semaphore, #tpu.memory_space<semaphore_mem>>) src(%dma_wait3A_27 : memref<25600xi32, #tpu.memory_space<hbm>>) dst(%arg5 : memref<25600xi32, #tpu.memory_space<vmem>>)
      tpu.yield
    }) : () -> ()
    %dma_start3A = arith.constant 0 : i32
    %dma_start3A_3 = tpu.memref_slice %arg5[%dma_start3A] : memref<25600xi32, #tpu.memory_space<vmem>> -> memref<128xi32, #tpu.memory_space<vmem>>
    %dma_start3A_4 = arith.constant 0 : i32
    %dma_start3A_5 = arith.constant 0 : i32
    %dma_start3A_6 = tpu.memref_slice %arg3[%dma_start3A_4, %dma_start3A_5] : memref<100001x128xf32, #tpu.memory_space<hbm>> -> memref<100001x128xf32, #tpu.memory_space<hbm>>
    tpu.enqueue_indirect_dma source(%dma_start3A_6 : memref<100001x128xf32, #tpu.memory_space<hbm>>) target(%arg6 : memref<128x128xf32, #tpu.memory_space<vmem>>) offsets(%dma_start3A_3 : memref<128xi32, #tpu.memory_space<vmem>>) semaphore(%arg10 : memref<!tpu.dma_semaphore, #tpu.memory_space<semaphore_mem>>)
    %dma_start3A_7 = arith.constant 128 : i32
    %dma_start3A_8 = tpu.memref_slice %arg5[%dma_start3A_7] : memref<25600xi32, #tpu.memory_space<vmem>> -> memref<128xi32, #tpu.memory_space<vmem>>
    %dma_start3A_9 = arith.constant 0 : i32
    %dma_start3A_10 = arith.constant 0 : i32
    %dma_start3A_11 = tpu.memref_slice %arg3[%dma_start3A_9, %dma_start3A_10] : memref<100001x128xf32, #tpu.memory_space<hbm>> -> memref<100001x128xf32, #tpu.memory_space<hbm>>
    tpu.enqueue_indirect_dma source(%dma_start3A_11 : memref<100001x128xf32, #tpu.memory_space<hbm>>) target(%arg7 : memref<128x128xf32, #tpu.memory_space<vmem>>) offsets(%dma_start3A_8 : memref<128xi32, #tpu.memory_space<vmem>>) semaphore(%arg11 : memref<!tpu.dma_semaphore, #tpu.memory_space<semaphore_mem>>)
    %scan3A = arith.constant 0 : i32
    %scan3A_12 = arith.constant 0 : i32
    %scan3A_13 = arith.constant 50 : i32
    %scan3A_14 = arith.addi %scan3A_12, %scan3A_13 : i32
    %scan3A_15 = arith.constant 1 : i32
    scf.for %scan3A_24 = %scan3A_12 to %scan3A_14 step %scan3A_15  : i32 {
      %mul3A_25 = arith.constant 4 : i32
      %mul3A_26 = arith.muli %scan3A_24, %mul3A_25 : i32
      %add3A_27 = arith.constant 0 : i32
      %add3A_28 = arith.addi %mul3A_26, %add3A_27 : i32
      %dma_wait3A_29 = arith.constant 0 : i32
      %dma_wait3A_30 = tpu.memref_slice %arg5[%dma_wait3A_29] : memref<25600xi32, #tpu.memory_space<vmem>> -> memref<128xi32, #tpu.memory_space<vmem>>
      %dma_wait3A_31 = arith.constant 0 : i32
      %dma_wait3A_32 = arith.constant 0 : i32
      %dma_wait3A_33 = tpu.memref_slice %arg3[%dma_wait3A_31, %dma_wait3A_32] : memref<100001x128xf32, #tpu.memory_space<hbm>> -> memref<100001x128xf32, #tpu.memory_space<hbm>>
      tpu.wait_indirect_dma semaphore(%arg10 : memref<!tpu.dma_semaphore, #tpu.memory_space<semaphore_mem>>) src(%dma_wait3A_33 : memref<100001x128xf32, #tpu.memory_space<hbm>>) dst(%arg6 : memref<128x128xf32, #tpu.memory_space<vmem>>)
      %mul3A_34 = arith.constant 128 : i32
      %mul3A_35 = arith.muli %add3A_28, %mul3A_34 : i32
      %add3A_36 = arith.addi %mul3A_2, %mul3A_35 : i32
      %dma_start3A_37 = arith.constant 0 : i32
      %dma_start3A_38 = tpu.memref_slice %arg4[%add3A_36, %dma_start3A_37] : memref<819200x128xf32, #tpu.memory_space<hbm>> -> memref<128x128xf32, #tpu.memory_space<hbm>>
      %dma_start3A_39 = arith.constant 0 : i32
      %dma_start3A_40 = tpu.memref_slice %arg4[%add3A_36, %dma_start3A_39] : memref<819200x128xf32, #tpu.memory_space<hbm>> -> memref<128x128xf32, #tpu.memory_space<hbm>>
      tpu.enqueue_dma source(%arg6 : memref<128x128xf32, #tpu.memory_space<vmem>>) target(%dma_start3A_40 : memref<128x128xf32, #tpu.memory_space<hbm>>) target_semaphore(%arg14 : memref<!tpu.dma_semaphore, #tpu.memory_space<semaphore_mem>>)
      %ge3A = arith.constant 2 : i32
      %ge3A_41 = arith.cmpi sge, %add3A_28, %ge3A : i32
      %convert_element_type3A = arith.extui %ge3A_41 : i1 to i32
      %cond3A = arith.constant 0 : i32
      %cond3A_42 = arith.cmpi ne, %convert_element_type3A, %cond3A : i32
      scf.if %cond3A_42 {
        %dma_wait3A_125 = arith.constant 0 : i32
        %dma_wait3A_126 = tpu.memref_slice %arg4[%mul3A_2, %dma_wait3A_125] : memref<819200x128xf32, #tpu.memory_space<hbm>> -> memref<128x128xf32, #tpu.memory_space<hbm>>
        %dma_wait3A_127 = arith.constant 0 : i32
        %dma_wait3A_128 = tpu.memref_slice %arg4[%mul3A_2, %dma_wait3A_127] : memref<819200x128xf32, #tpu.memory_space<hbm>> -> memref<128x128xf32, #tpu.memory_space<hbm>>
        tpu.wait_dma2 semaphore(%arg16 : memref<!tpu.dma_semaphore, #tpu.memory_space<semaphore_mem>>) src(%arg8 : memref<128x128xf32, #tpu.memory_space<vmem>>) dst(%dma_wait3A_128 : memref<128x128xf32, #tpu.memory_space<hbm>>)
      } else {
      }
      %lt3A = arith.constant 198 : i32
      %lt3A_43 = arith.cmpi slt, %add3A_28, %lt3A : i32
      %convert_element_type3A_44 = arith.extui %lt3A_43 : i1 to i32
      %cond3A_45 = arith.constant 0 : i32
      %cond3A_46 = arith.cmpi ne, %convert_element_type3A_44, %cond3A_45 : i32
      scf.if %cond3A_46 {
        %add3A_125 = arith.constant 2 : i32
        %add3A_126 = arith.addi %add3A_28, %add3A_125 : i32
        %mul3A_127 = arith.constant 128 : i32
        %mul3A_128 = arith.muli %add3A_126, %mul3A_127 : i32
        %dma_start3A_129 = tpu.memref_slice %arg5[%mul3A_128] : memref<25600xi32, #tpu.memory_space<vmem>> -> memref<128xi32, #tpu.memory_space<vmem>>
        %dma_start3A_130 = arith.constant 0 : i32
        %dma_start3A_131 = arith.constant 0 : i32
        %dma_start3A_132 = tpu.memref_slice %arg3[%dma_start3A_130, %dma_start3A_131] : memref<100001x128xf32, #tpu.memory_space<hbm>> -> memref<100001x128xf32, #tpu.memory_space<hbm>>
        tpu.enqueue_indirect_dma source(%dma_start3A_132 : memref<100001x128xf32, #tpu.memory_space<hbm>>) target(%arg8 : memref<128x128xf32, #tpu.memory_space<vmem>>) offsets(%dma_start3A_129 : memref<128xi32, #tpu.memory_space<vmem>>) semaphore(%arg12 : memref<!tpu.dma_semaphore, #tpu.memory_space<semaphore_mem>>)
      } else {
      }
      %mul3A_47 = arith.constant 4 : i32
      %mul3A_48 = arith.muli %scan3A_24, %mul3A_47 : i32
      %add3A_49 = arith.constant 1 : i32
      %add3A_50 = arith.addi %mul3A_48, %add3A_49 : i32
      %dma_wait3A_51 = arith.constant 0 : i32
      %dma_wait3A_52 = tpu.memref_slice %arg5[%dma_wait3A_51] : memref<25600xi32, #tpu.memory_space<vmem>> -> memref<128xi32, #tpu.memory_space<vmem>>
      %dma_wait3A_53 = arith.constant 0 : i32
      %dma_wait3A_54 = arith.constant 0 : i32
      %dma_wait3A_55 = tpu.memref_slice %arg3[%dma_wait3A_53, %dma_wait3A_54] : memref<100001x128xf32, #tpu.memory_space<hbm>> -> memref<100001x128xf32, #tpu.memory_space<hbm>>
      tpu.wait_indirect_dma semaphore(%arg11 : memref<!tpu.dma_semaphore, #tpu.memory_space<semaphore_mem>>) src(%dma_wait3A_55 : memref<100001x128xf32, #tpu.memory_space<hbm>>) dst(%arg7 : memref<128x128xf32, #tpu.memory_space<vmem>>)
      %mul3A_56 = arith.constant 128 : i32
      %mul3A_57 = arith.muli %add3A_50, %mul3A_56 : i32
      %add3A_58 = arith.addi %mul3A_2, %mul3A_57 : i32
      %dma_start3A_59 = arith.constant 0 : i32
      %dma_start3A_60 = tpu.memref_slice %arg4[%add3A_58, %dma_start3A_59] : memref<819200x128xf32, #tpu.memory_space<hbm>> -> memref<128x128xf32, #tpu.memory_space<hbm>>
      %dma_start3A_61 = arith.constant 0 : i32
      %dma_start3A_62 = tpu.memref_slice %arg4[%add3A_58, %dma_start3A_61] : memref<819200x128xf32, #tpu.memory_space<hbm>> -> memref<128x128xf32, #tpu.memory_space<hbm>>
      tpu.enqueue_dma source(%arg7 : memref<128x128xf32, #tpu.memory_space<vmem>>) target(%dma_start3A_62 : memref<128x128xf32, #tpu.memory_space<hbm>>) target_semaphore(%arg15 : memref<!tpu.dma_semaphore, #tpu.memory_space<semaphore_mem>>)
      %ge3A_63 = arith.constant 2 : i32
      %ge3A_64 = arith.cmpi sge, %add3A_50, %ge3A_63 : i32
      %convert_element_type3A_65 = arith.extui %ge3A_64 : i1 to i32
      %cond3A_66 = arith.constant 0 : i32
      %cond3A_67 = arith.cmpi ne, %convert_element_type3A_65, %cond3A_66 : i32
      scf.if %cond3A_67 {
        %dma_wait3A_125 = arith.constant 0 : i32
        %dma_wait3A_126 = tpu.memref_slice %arg4[%mul3A_2, %dma_wait3A_125] : memref<819200x128xf32, #tpu.memory_space<hbm>> -> memref<128x128xf32, #tpu.memory_space<hbm>>
        %dma_wait3A_127 = arith.constant 0 : i32
        %dma_wait3A_128 = tpu.memref_slice %arg4[%mul3A_2, %dma_wait3A_127] : memref<819200x128xf32, #tpu.memory_space<hbm>> -> memref<128x128xf32, #tpu.memory_space<hbm>>
        tpu.wait_dma2 semaphore(%arg17 : memref<!tpu.dma_semaphore, #tpu.memory_space<semaphore_mem>>) src(%arg9 : memref<128x128xf32, #tpu.memory_space<vmem>>) dst(%dma_wait3A_128 : memref<128x128xf32, #tpu.memory_space<hbm>>)
      } else {
      }
      %lt3A_68 = arith.constant 198 : i32
      %lt3A_69 = arith.cmpi slt, %add3A_50, %lt3A_68 : i32
      %convert_element_type3A_70 = arith.extui %lt3A_69 : i1 to i32
      %cond3A_71 = arith.constant 0 : i32
      %cond3A_72 = arith.cmpi ne, %convert_element_type3A_70, %cond3A_71 : i32
      scf.if %cond3A_72 {
        %add3A_125 = arith.constant 2 : i32
        %add3A_126 = arith.addi %add3A_50, %add3A_125 : i32
        %mul3A_127 = arith.constant 128 : i32
        %mul3A_128 = arith.muli %add3A_126, %mul3A_127 : i32
        %dma_start3A_129 = tpu.memref_slice %arg5[%mul3A_128] : memref<25600xi32, #tpu.memory_space<vmem>> -> memref<128xi32, #tpu.memory_space<vmem>>
        %dma_start3A_130 = arith.constant 0 : i32
        %dma_start3A_131 = arith.constant 0 : i32
        %dma_start3A_132 = tpu.memref_slice %arg3[%dma_start3A_130, %dma_start3A_131] : memref<100001x128xf32, #tpu.memory_space<hbm>> -> memref<100001x128xf32, #tpu.memory_space<hbm>>
        tpu.enqueue_indirect_dma source(%dma_start3A_132 : memref<100001x128xf32, #tpu.memory_space<hbm>>) target(%arg9 : memref<128x128xf32, #tpu.memory_space<vmem>>) offsets(%dma_start3A_129 : memref<128xi32, #tpu.memory_space<vmem>>) semaphore(%arg13 : memref<!tpu.dma_semaphore, #tpu.memory_space<semaphore_mem>>)
      } else {
      }
      %mul3A_73 = arith.constant 4 : i32
      %mul3A_74 = arith.muli %scan3A_24, %mul3A_73 : i32
      %add3A_75 = arith.constant 2 : i32
      %add3A_76 = arith.addi %mul3A_74, %add3A_75 : i32
      %dma_wait3A_77 = arith.constant 0 : i32
      %dma_wait3A_78 = tpu.memref_slice %arg5[%dma_wait3A_77] : memref<25600xi32, #tpu.memory_space<vmem>> -> memref<128xi32, #tpu.memory_space<vmem>>
      %dma_wait3A_79 = arith.constant 0 : i32
      %dma_wait3A_80 = arith.constant 0 : i32
      %dma_wait3A_81 = tpu.memref_slice %arg3[%dma_wait3A_79, %dma_wait3A_80] : memref<100001x128xf32, #tpu.memory_space<hbm>> -> memref<100001x128xf32, #tpu.memory_space<hbm>>
      tpu.wait_indirect_dma semaphore(%arg12 : memref<!tpu.dma_semaphore, #tpu.memory_space<semaphore_mem>>) src(%dma_wait3A_81 : memref<100001x128xf32, #tpu.memory_space<hbm>>) dst(%arg8 : memref<128x128xf32, #tpu.memory_space<vmem>>)
      %mul3A_82 = arith.constant 128 : i32
      %mul3A_83 = arith.muli %add3A_76, %mul3A_82 : i32
      %add3A_84 = arith.addi %mul3A_2, %mul3A_83 : i32
      %dma_start3A_85 = arith.constant 0 : i32
      %dma_start3A_86 = tpu.memref_slice %arg4[%add3A_84, %dma_start3A_85] : memref<819200x128xf32, #tpu.memory_space<hbm>> -> memref<128x128xf32, #tpu.memory_space<hbm>>
      %dma_start3A_87 = arith.constant 0 : i32
      %dma_start3A_88 = tpu.memref_slice %arg4[%add3A_84, %dma_start3A_87] : memref<819200x128xf32, #tpu.memory_space<hbm>> -> memref<128x128xf32, #tpu.memory_space<hbm>>
      tpu.enqueue_dma source(%arg8 : memref<128x128xf32, #tpu.memory_space<vmem>>) target(%dma_start3A_88 : memref<128x128xf32, #tpu.memory_space<hbm>>) target_semaphore(%arg16 : memref<!tpu.dma_semaphore, #tpu.memory_space<semaphore_mem>>)
      %ge3A_89 = arith.constant 2 : i32
      %ge3A_90 = arith.cmpi sge, %add3A_76, %ge3A_89 : i32
      %convert_element_type3A_91 = arith.extui %ge3A_90 : i1 to i32
      %cond3A_92 = arith.constant 0 : i32
      %cond3A_93 = arith.cmpi ne, %convert_element_type3A_91, %cond3A_92 : i32
      scf.if %cond3A_93 {
        %dma_wait3A_125 = arith.constant 0 : i32
        %dma_wait3A_126 = tpu.memref_slice %arg4[%mul3A_2, %dma_wait3A_125] : memref<819200x128xf32, #tpu.memory_space<hbm>> -> memref<128x128xf32, #tpu.memory_space<hbm>>
        %dma_wait3A_127 = arith.constant 0 : i32
        %dma_wait3A_128 = tpu.memref_slice %arg4[%mul3A_2, %dma_wait3A_127] : memref<819200x128xf32, #tpu.memory_space<hbm>> -> memref<128x128xf32, #tpu.memory_space<hbm>>
        tpu.wait_dma2 semaphore(%arg14 : memref<!tpu.dma_semaphore, #tpu.memory_space<semaphore_mem>>) src(%arg6 : memref<128x128xf32, #tpu.memory_space<vmem>>) dst(%dma_wait3A_128 : memref<128x128xf32, #tpu.memory_space<hbm>>)
      } else {
      }
      %lt3A_94 = arith.constant 198 : i32
      %lt3A_95 = arith.cmpi slt, %add3A_76, %lt3A_94 : i32
      %convert_element_type3A_96 = arith.extui %lt3A_95 : i1 to i32
      %cond3A_97 = arith.constant 0 : i32
      %cond3A_98 = arith.cmpi ne, %convert_element_type3A_96, %cond3A_97 : i32
      scf.if %cond3A_98 {
        %add3A_125 = arith.constant 2 : i32
        %add3A_126 = arith.addi %add3A_76, %add3A_125 : i32
        %mul3A_127 = arith.constant 128 : i32
        %mul3A_128 = arith.muli %add3A_126, %mul3A_127 : i32
        %dma_start3A_129 = tpu.memref_slice %arg5[%mul3A_128] : memref<25600xi32, #tpu.memory_space<vmem>> -> memref<128xi32, #tpu.memory_space<vmem>>
        %dma_start3A_130 = arith.constant 0 : i32
        %dma_start3A_131 = arith.constant 0 : i32
        %dma_start3A_132 = tpu.memref_slice %arg3[%dma_start3A_130, %dma_start3A_131] : memref<100001x128xf32, #tpu.memory_space<hbm>> -> memref<100001x128xf32, #tpu.memory_space<hbm>>
        tpu.enqueue_indirect_dma source(%dma_start3A_132 : memref<100001x128xf32, #tpu.memory_space<hbm>>) target(%arg6 : memref<128x128xf32, #tpu.memory_space<vmem>>) offsets(%dma_start3A_129 : memref<128xi32, #tpu.memory_space<vmem>>) semaphore(%arg10 : memref<!tpu.dma_semaphore, #tpu.memory_space<semaphore_mem>>)
      } else {
      }
      %mul3A_99 = arith.constant 4 : i32
      %mul3A_100 = arith.muli %scan3A_24, %mul3A_99 : i32
      %add3A_101 = arith.constant 3 : i32
      %add3A_102 = arith.addi %mul3A_100, %add3A_101 : i32
      %dma_wait3A_103 = arith.constant 0 : i32
      %dma_wait3A_104 = tpu.memref_slice %arg5[%dma_wait3A_103] : memref<25600xi32, #tpu.memory_space<vmem>> -> memref<128xi32, #tpu.memory_space<vmem>>
      %dma_wait3A_105 = arith.constant 0 : i32
      %dma_wait3A_106 = arith.constant 0 : i32
      %dma_wait3A_107 = tpu.memref_slice %arg3[%dma_wait3A_105, %dma_wait3A_106] : memref<100001x128xf32, #tpu.memory_space<hbm>> -> memref<100001x128xf32, #tpu.memory_space<hbm>>
      tpu.wait_indirect_dma semaphore(%arg13 : memref<!tpu.dma_semaphore, #tpu.memory_space<semaphore_mem>>) src(%dma_wait3A_107 : memref<100001x128xf32, #tpu.memory_space<hbm>>) dst(%arg9 : memref<128x128xf32, #tpu.memory_space<vmem>>)
      %mul3A_108 = arith.constant 128 : i32
      %mul3A_109 = arith.muli %add3A_102, %mul3A_108 : i32
      %add3A_110 = arith.addi %mul3A_2, %mul3A_109 : i32
      %dma_start3A_111 = arith.constant 0 : i32
      %dma_start3A_112 = tpu.memref_slice %arg4[%add3A_110, %dma_start3A_111] : memref<819200x128xf32, #tpu.memory_space<hbm>> -> memref<128x128xf32, #tpu.memory_space<hbm>>
      %dma_start3A_113 = arith.constant 0 : i32
      %dma_start3A_114 = tpu.memref_slice %arg4[%add3A_110, %dma_start3A_113] : memref<819200x128xf32, #tpu.memory_space<hbm>> -> memref<128x128xf32, #tpu.memory_space<hbm>>
      tpu.enqueue_dma source(%arg9 : memref<128x128xf32, #tpu.memory_space<vmem>>) target(%dma_start3A_114 : memref<128x128xf32, #tpu.memory_space<hbm>>) target_semaphore(%arg17 : memref<!tpu.dma_semaphore, #tpu.memory_space<semaphore_mem>>)
      %ge3A_115 = arith.constant 2 : i32
      %ge3A_116 = arith.cmpi sge, %add3A_102, %ge3A_115 : i32
      %convert_element_type3A_117 = arith.extui %ge3A_116 : i1 to i32
      %cond3A_118 = arith.constant 0 : i32
      %cond3A_119 = arith.cmpi ne, %convert_element_type3A_117, %cond3A_118 : i32
      scf.if %cond3A_119 {
        %dma_wait3A_125 = arith.constant 0 : i32
        %dma_wait3A_126 = tpu.memref_slice %arg4[%mul3A_2, %dma_wait3A_125] : memref<819200x128xf32, #tpu.memory_space<hbm>> -> memref<128x128xf32, #tpu.memory_space<hbm>>
        %dma_wait3A_127 = arith.constant 0 : i32
        %dma_wait3A_128 = tpu.memref_slice %arg4[%mul3A_2, %dma_wait3A_127] : memref<819200x128xf32, #tpu.memory_space<hbm>> -> memref<128x128xf32, #tpu.memory_space<hbm>>
        tpu.wait_dma2 semaphore(%arg15 : memref<!tpu.dma_semaphore, #tpu.memory_space<semaphore_mem>>) src(%arg7 : memref<128x128xf32, #tpu.memory_space<vmem>>) dst(%dma_wait3A_128 : memref<128x128xf32, #tpu.memory_space<hbm>>)
      } else {
      }
      %lt3A_120 = arith.constant 198 : i32
      %lt3A_121 = arith.cmpi slt, %add3A_102, %lt3A_120 : i32
      %convert_element_type3A_122 = arith.extui %lt3A_121 : i1 to i32
      %cond3A_123 = arith.constant 0 : i32
      %cond3A_124 = arith.cmpi ne, %convert_element_type3A_122, %cond3A_123 : i32
      scf.if %cond3A_124 {
        %add3A_125 = arith.constant 2 : i32
        %add3A_126 = arith.addi %add3A_102, %add3A_125 : i32
        %mul3A_127 = arith.constant 128 : i32
        %mul3A_128 = arith.muli %add3A_126, %mul3A_127 : i32
        %dma_start3A_129 = tpu.memref_slice %arg5[%mul3A_128] : memref<25600xi32, #tpu.memory_space<vmem>> -> memref<128xi32, #tpu.memory_space<vmem>>
        %dma_start3A_130 = arith.constant 0 : i32
        %dma_start3A_131 = arith.constant 0 : i32
        %dma_start3A_132 = tpu.memref_slice %arg3[%dma_start3A_130, %dma_start3A_131] : memref<100001x128xf32, #tpu.memory_space<hbm>> -> memref<100001x128xf32, #tpu.memory_space<hbm>>
        tpu.enqueue_indirect_dma source(%dma_start3A_132 : memref<100001x128xf32, #tpu.memory_space<hbm>>) target(%arg7 : memref<128x128xf32, #tpu.memory_space<vmem>>) offsets(%dma_start3A_129 : memref<128xi32, #tpu.memory_space<vmem>>) semaphore(%arg11 : memref<!tpu.dma_semaphore, #tpu.memory_space<semaphore_mem>>)
      } else {
      }
    }
    %scan3A_16 = arith.constant 50 : i32
    %dma_wait3A = arith.constant 0 : i32
    %dma_wait3A_17 = tpu.memref_slice %arg4[%mul3A_2, %dma_wait3A] : memref<819200x128xf32, #tpu.memory_space<hbm>> -> memref<128x128xf32, #tpu.memory_space<hbm>>
    %dma_wait3A_18 = arith.constant 0 : i32
    %dma_wait3A_19 = tpu.memref_slice %arg4[%mul3A_2, %dma_wait3A_18] : memref<819200x128xf32, #tpu.memory_space<hbm>> -> memref<128x128xf32, #tpu.memory_space<hbm>>
    tpu.wait_dma2 semaphore(%arg16 : memref<!tpu.dma_semaphore, #tpu.memory_space<semaphore_mem>>) src(%arg8 : memref<128x128xf32, #tpu.memory_space<vmem>>) dst(%dma_wait3A_19 : memref<128x128xf32, #tpu.memory_space<hbm>>)
    %dma_wait3A_20 = arith.constant 0 : i32
    %dma_wait3A_21 = tpu.memref_slice %arg4[%mul3A_2, %dma_wait3A_20] : memref<819200x128xf32, #tpu.memory_space<hbm>> -> memref<128x128xf32, #tpu.memory_space<hbm>>
    %dma_wait3A_22 = arith.constant 0 : i32
    %dma_wait3A_23 = tpu.memref_slice %arg4[%mul3A_2, %dma_wait3A_22] : memref<819200x128xf32, #tpu.memory_space<hbm>> -> memref<128x128xf32, #tpu.memory_space<hbm>>
    tpu.wait_dma2 semaphore(%arg17 : memref<!tpu.dma_semaphore, #tpu.memory_space<semaphore_mem>>) src(%arg9 : memref<128x128xf32, #tpu.memory_space<vmem>>) dst(%dma_wait3A_23 : memref<128x128xf32, #tpu.memory_space<hbm>>)
    return
  }
}

</mosaic_0001>

<sc_bundles>
// kernel: kernel.3.cloned.1.call-start
scs
__scs_entry_jumppad:
0x0: {  	(pc) =	sbr.rel $0x88, $3  }
0x1: {  	(tag) =	ssettag $0x0;
	lr =	simm.s32 $0x1  }
0x2: {  	[smem:$0x3F9F] =	sst lr;
	_ =	strace $0xD0000000  }
0x3: {  	_ = 	snop  }
0x4: {  	_ = 	snop  }
0x5: {  	_ = 	snop  }
0x6: {  	_ = 	snop  }
0x7: {  	_ = 	snop  }
__scs_overlays_trampoline_lowered:
0x8: {  	[smem:$0x3FAE] =	sst s0  }
0x9: {  	[smem:$0x3FAF] =	sst s1  }
0xa: {  	[smem:$0x3FB0] =	sst s2  }
0xb: {  	[smem:$0x3FB1] =	sst s3  }
0xc: {  	[smem:$0x3FB2] =	sst s4  }
0xd: {  	[smem:$0x3FB3] =	sst s5  }
0xe: {  	[smem:$0x3FB4] =	sst s6  }
0xf: {  	[smem:$0x3FB5] =	sst s7  }
0x10: {  	[smem:$0x3FB6] =	sst s8  }
0x11: {  	[smem:$0x3FB7] =	sst s9;
	s0 =	simm.s32 @!p0 $0x0  }
0x12: {  	s1 =	sld [smem:$0x3F9D];
	s0 =	simm.s32 @p0 $0x1  }
0x13: {  	[smem:$0x3FB8] =	sst s0;
	s0 =	simm.s32 @!p1 $0x0  }
0x14: {  	s2 =	sld [smem:$0x3F9C];
	s0 =	simm.s32 @p1 $0x1  }
0x15: {  	[smem:$0x3FB9] =	sst s0;
	s0 =	simm.s32 @!p2 $0x0  }
0x16: {  	s3 =	sld [smem:$0x3FDB];
	s0 =	simm.s32 @p2 $0x1  }
0x17: {  	s4 =	simm.s32 $0x1BF5;
	[smem:$0x3FBB] =	sst s0  }
0x18: {  	s0 =	sld [smem:$0x3F9E];
	_ =	swait.ge [sflag:s4], $0x0  }
0x19: {  	s7 =	sld [smem:$0x3F9F]  }
0x1a: {  	s8 =	sadd.s32 $0xFFFFE003, lr  }
0x1b: {  	s9 =	sadd.s32 $0xFFFFFEF7, lr;
	s5 =	simm.s32 $0xFFFFFFFF;
	p2 =	slt.u32 s8, $0xFFFFF086  }
0x1c: {  	p1 =	slt.u32 s9, $0xF7A;
	s5 =	simm.s32 @!p2 $0x0  }
0x1d: {  	s5 =	simm.s32 @p1 $0x1;
	p0 =	seq.s32 s7, s2  }
0x1e: {  	s7 =	smul.u32 @!p0 $0xF7A, s2;
	p2 =	seq.s32 @!p0 s5, $0x0  }
0x1f: {  	s9 =	smul.u32 $0xF7A, s1;
	s8 =	simm.s32 @!p0 $0x1BF5;
	p2 =	por !p2, p0  }
0x20: {  	[sflag:s8] =	ssyncset.s32 @!p0 $0xFFFFF086;
	s6 =	sadd.s32 @!p0 s3, s7;
	s7 =	simm.s32 @!p0 $0x108  }
0x21: {  	s3 =	sadd.s32 s3, s9;
	s6 =	sadd.s32 @!p0 $0x88, s6;
	s7 =	simm.s32 @p2 $0x1082  }
0x22: {  	[simem:s7], [sflag:s8] =	dma.local @!p0 [hbm:s6], $0xF7A  }
0x23: {  	s9 =	sor.u32 $0xD0000000, s2;
	s6 =	simm.s32 $0x108;
	_ =	swait.ge @!p0 [sflag:s8], $0x0  }
0x24: {  	s3 =	sadd.s32 $0x88, s3;
	s6 =	simm.s32 @!p1 $0x1082;
	[sflag:s4] =	ssyncset.s32 $0xFFFFF086  }
0x25: {  	[simem:s6], [sflag:s4] =	dma.local [hbm:s3], $0xF7A  }
0x26: {  	[smem:$0x3F9F] =	sst s1;
	(tag) =	ssettag s2;
	_ =	strace s9  }
0x27: {  	s1 =	sld [smem:$0x3FAF]  }
0x28: {  	s2 =	sld [smem:$0x3FB0]  }
0x29: {  	s4 =	sld [smem:$0x3FB2]  }
0x2a: {  	p0 =	seq.s32 s5, $0x0;
	s5 =	sld [smem:$0x3FB3]  }
0x2b: {  	s6 =	sld [smem:$0x3FB4]  }
0x2c: {  	s7 =	sld [smem:$0x3FB5]  }
0x2d: {  	s3 =	simm.s32 $0x108;
	s8 =	sld [smem:$0x3FB6]  }
0x2e: {  	s3 =	simm.s32 @!p0 $0x1082;
	s9 =	sld [smem:$0x3FB7]  }
0x2f: {  	lr =	sadd.s32 s0, s3;
	s0 =	sld [smem:$0x3FAE]  }
0x30: {  	s3 =	sld [smem:$0x3FB1]  }
0x31: {  	[smem:$0x3FBA] =	sst s10  }
0x32: {  	s10 =	sld [smem:$0x3FB8];
	_ =	sdelay $0x3  }
0x33: {  	p0 =	seq.s32 s10, $0x1;
	s10 =	sld [smem:$0x3FBA];
	_ =	sdelay $0x3  }
0x34: {  	[smem:$0x3FBA] =	sst s10  }
0x35: {  	s10 =	sld [smem:$0x3FB9];
	_ =	sdelay $0x3  }
0x36: {  	p1 =	seq.s32 s10, $0x1;
	s10 =	sld [smem:$0x3FBA];
	_ =	sdelay $0x3  }
0x37: {  	[smem:$0x3FBA] =	sst s10  }
0x38: {  	s10 =	sld [smem:$0x3FBB]  }
0x39: {  	_ = 	snop;
	(pc) =	sbr.ind lr, $3  }
0x3a: {  	_ = 	snop  }
0x3b: {  	_ = 	snop  }
0x3c: {  	p2 =	seq.s32 s10, $0x1;
	s10 =	sld [smem:$0x3FBA]  }
0x3d: {  	_ =	shalt  }
0x3e: {  	_ =	shalt  }
0x3f: {  	_ =	shalt  }
0x40: {  	_ =	shalt  }
0x41: {  	_ =	shalt  }
0x42: {  	_ =	shalt  }
0x43: {  	_ =	shalt  }
0x44: {  	_ =	shalt  }
0x45: {  	_ =	shalt  }
0x46: {  	_ =	shalt  }
0x47: {  	_ =	shalt  }
0x48: {  	_ =	shalt  }
0x49: {  	_ =	shalt  }
0x4a: {  	_ =	shalt  }
0x4b: {  	_ =	shalt  }
0x4c: {  	_ =	shalt  }
0x4d: {  	_ =	shalt  }
0x4e: {  	_ =	shalt  }
0x4f: {  	_ =	shalt  }
0x50: {  	_ =	shalt  }
0x51: {  	_ =	shalt  }
0x52: {  	_ =	shalt  }
0x53: {  	_ =	shalt  }
0x54: {  	_ =	shalt  }
0x55: {  	_ =	shalt  }
0x56: {  	_ =	shalt  }
0x57: {  	_ =	shalt  }
0x58: {  	_ =	shalt  }
0x59: {  	_ =	shalt  }
0x5a: {  	_ =	shalt  }
0x5b: {  	_ =	shalt  }
0x5c: {  	_ =	shalt  }
0x5d: {  	_ =	shalt  }
0x5e: {  	_ =	shalt  }
0x5f: {  	_ =	shalt  }
0x60: {  	_ =	shalt  }
0x61: {  	_ =	shalt  }
0x62: {  	_ =	shalt  }
0x63: {  	_ =	shalt  }
0x64: {  	_ =	shalt  }
0x65: {  	_ =	shalt  }
0x66: {  	_ =	shalt  }
0x67: {  	_ =	shalt  }
0x68: {  	_ =	shalt  }
0x69: {  	_ =	shalt  }
0x6a: {  	_ =	shalt  }
0x6b: {  	_ =	shalt  }
0x6c: {  	_ =	shalt  }
0x6d: {  	_ =	shalt  }
0x6e: {  	_ =	shalt  }
0x6f: {  	_ =	shalt  }
0x70: {  	_ =	shalt  }
0x71: {  	_ =	shalt  }
0x72: {  	_ =	shalt  }
0x73: {  	_ =	shalt  }
0x74: {  	_ =	shalt  }
0x75: {  	_ =	shalt  }
0x76: {  	_ =	shalt  }
0x77: {  	_ =	shalt  }
0x78: {  	_ =	shalt  }
0x79: {  	_ =	shalt  }
0x7a: {  	_ =	shalt  }
0x7b: {  	_ =	shalt  }
0x7c: {  	_ =	shalt  }
0x7d: {  	_ =	shalt  }
0x7e: {  	_ =	shalt  }
0x7f: {  	_ =	shalt  }
0x80: {  	_ =	shalt  }
0x81: {  	_ =	shalt  }
0x82: {  	_ =	shalt  }
0x83: {  	_ =	shalt  }
0x84: {  	_ =	shalt  }
0x85: {  	_ =	shalt  }
0x86: {  	_ =	shalt  }
0x87: {  	_ =	shalt  }
.Lfunc_end0:
.L_simem_size_0:
called_computation_lowered:
.L_overlay_start_0:
0x88: {  	s2 =	sld [smem:$0x3FD9]  }
0x89: {  	s3 =	sld [smem:$0x3FFE];
	_ =	sdelay $0x1  }
0x8a: {  	s1 =	srdreg.scid  }
0x8b: {  	s0 =	sand.u32 $0x1, s1  }
0x8c: {  	s17 =	sshll.u32 s0, $0xA;
	s2 =	sadd.s32 s3, s2  }
0x8d: {  	s2 =	sadd.s32 s2, s17  }
0x8e: {  	[smem:$0x3FC6] =	sst s2  }
0x8f: {  	_ = 	snop  }
0x90: {  	s2 =	sld [smem:$0x3FC8]  }
0x91: {  	s18 =	sld [smem:$0x3FD0];
	(tm) =	ssettm $0x1  }
0x92: {  	s4 =	sld [smem:$0x3FFB];
	_ =	sdelay $0x3  }
0x93: {  	_ =	strace s4  }
0x94: {  	s4 =	sld [smem:$0x3FFC];
	_ =	sdelay $0x3  }
0x95: {  	_ =	strace s4  }
0x96: {  	s4 =	sld [smem:$0x3FFD];
	_ =	sdelay $0x3  }
0x97: {  	_ =	strace s4  }
0x98: {  	_ =	strace $0x8FFFFFFF  }
0x99: {  	s19 =	sld [smem:$0x3FDB];
	_ =	sdelay $0x1  }
0x9a: {  	s5 =	simm.s32 $_scs_section_size  }
0x9b: {  	s6 =	simm.s32 $_size__tile_overlayer_lowered;
	s7 =	simm.s32 $_tile_overlayer_lowered  }
0x9c: {  	s22 =	simm.s32 $0x1BFF;
	s21 =	sshll.u32 s7, $0x1;
	s4 =	sadd.s32 s5, s19  }
0x9d: {  	s8 =	simm.s32 $0x0;
	s20 =	sshll.u32 s6, $0x1;
	s6 =	sadd.s32 s21, s4  }
0x9e: {  	[timem:s8], [sflag:s22] =	dma.local [hbm:s6], s20  }
0x9f: {  	_ =	swait.ge [sflag:s22], s20  }
0xa0: {  	s5 =	ssub.s32 $0x0, s20;
	[sflag:s22] =	ssyncset.done $0x0  }
0xa1: {  	[sflag:s22] =	ssyncadd.s32 s5;
	_ =	sdelay $0x1  }
0xa2: {  	s23 =	simm.s32 $0x1B8B  }
0xa3: {  	_ =	swait.ge [sflag:s23], $0x1  }
0xa4: {  	[sflag:s23] =	ssyncset.done $0x0  }
0xa5: {  	s25 =	simm.s32 $0x1B8E;
	s24 =	sld [smem:$0x3FFE];
	[sflag:s23] =	ssyncadd.s32 $0xFFFFFFFF  }
0xa6: {  	s26 =	simm.s32 $execute0_lowered;
	[smem:$0x3FD2] =	sst s25  }
0xa7: {  	s6 =	sshll.u32 s26, $0x1;
	_ =	strace $0x80000046;
	[dreg:$0x1] =	wrdreg $0xFFFFFFFF  }
0xa8: {  	s28 =	simm.s32 $_size_execute0_lowered;
	s4 =	sadd.s32 s4, s6;
	[dreg:$0x0] =	wrdreg $0x0  }
0xa9: {  	s6 =	sshll.u32 s28, $0x1;
	[dreg:$0x2] =	wrdreg s4  }
0xaa: {  	[dreg:$0x3] =	wrdreg s6  }
0xab: {  	[dreg:$0x4] =	wrdreg $0xC0  }
0xac: {  	_ =	task [dreg:s8], $0x5FFFF  }
0xad: {  	[dreg:$0x1] =	wrdreg $0xFFFFFFFF  }
0xae: {  	[dreg:$0x0] =	wrdreg $0x60  }
0xaf: {  	[dreg:$0x2] =	wrdreg s24  }
0xb0: {  	[dreg:$0x3] =	wrdreg s2  }
0xb1: {  	[dreg:$0x4] =	wrdreg s18  }
0xb2: {  	[dreg:$0x5] =	wrdreg $0x9  }
0xb3: {  	_ =	task.clear_ibuf [dreg:s8], $0x6FFFF;
	_ =	strace $0x90000046  }
0xb4: {  	s29 =	simm.s32 $0x9;
	_ =	strace $0x80000048  }
0xb5: {  	_ =	swait.ge [sflag:s29], $0x1  }
0xb6: {  	[sflag:s29] =	ssyncadd.s32 $0xFFFFFFFF  }
0xb7: {  	_ =	strace $0x90000048  }
0xb8: {  	_ =	sfence  }
0xb9: {  	s30 =	sld [smem:$0x0];
	_ =	sdelay $0x2  }
0xba: {  	s31 =	sshll.u32 s1, $0xD;
	s1 =	sshrl.u32 s1, $0x2  }
0xbb: {  	s3 =	sand.u32 $0x4000, s31;
	s1 =	sadd.s32 s1, s30  }
0xbc: {  	s0 =	sor.u32 s3, s0;
	s1 =	sshll.u32 s1, $0x11  }
0xbd: {  	s0 =	sor.u32 s1, s0  }
0xbe: {  	s0 =	sadd.s32 $0x8F2B, s0  }
0xbf: {  	[sflag:s0] =	ssyncadd.remote.s32 $0x1  }
0xc0: {  	_ =	sfence.sel $0xFFFF  }
0xc1: {  	[dreg:$0x0] =	wrdreg $0xFFFFFFFF;
	(pc) =	sbr.abs _section_cstart, $3  }
0xc2: {  	[dreg:$0x1] =	wrdreg $0xFFFFFFFF  }
0xc3: {  	_ =	task.clear_ibuf [dreg:s8], $0x2FFFF;
	_ =	strace $0x9FFFFFFF  }
0xc4: {  	(tm) =	ssettm $0x7FFFFFFF  }
0xc5: {  	_ =	shalt  }
tec
execute0_lowered:
.L_overlay_start_1:
0x0: {  	(tag) =	ssettag $0x1  }
0x1: {  	s0 =	rddreg [dreg:$0x0]  }
0x2: {  	s2 =	rddreg [dreg:$0x1]  }
0x3: {  	s1 =	rddreg [dreg:$0x2]  }
0x4: {  	s3 =	srdreg.scid;
	s6 =	stileid.u32  }
0x5: {  	s11 =	simm.s32 $0x80;
	s12 =	simm.s32 $0x6400;
	s13 =	simm.s32 $0xA400  }
0x6: {  	s14 =	simm.s32 $0x1;
	s15 =	simm.s32 $0xE400;
	s16 =	simm.s32 $0x2  }
0x7: {  	s17 =	simm.s32 $0x12400;
	s18 =	simm.s32 $0x3;
	s19 =	simm.s32 $0x5  }
0x8: {  	s20 =	simm.s32 $0x4;
	s21 =	simm.s32 $0x6;
	s23 =	simm.s32 $0x8  }
0x9: {  	s4 =	sand.u32 $0x1, s3;
	s5 =	sshll.u32 s6, $0x1;
	s6 =	smul.u32 $0x640000, s6  }
0xa: {  	s3 =	simm.s32 $0x0;
	s5 =	sor.u32 s4, s5;
	s7 =	smul.u32 $0x320000, s4  }
0xb: {  	[smem:$0x7FF] =	sst s3;
	s4 =	ssub.s32 $0x2, s4;
	s5 =	smul.u32 $0xC80, s5  }
0xc: {  	s24 =	simm.s32 $0x0;
	_ =	strace $0x80000047;
	s8 =	sshrl.u32 s4, $0x1  }
0xd: {  	s7 =	sadd.s32 s7, s6;
	s4 =	ssub.s32 s4, s8;
	s0 =	sadd.s32 s5, s0  }
0xe: {  	s25 =	sor.u32 $0x4000, s7;
	s26 =	smax.u32 s4, $0x1;
	s29 =	sor.u32 $0xC000, s7  }
0xf: {  	s30 =	sor.u32 $0x8000, s7;
	s31 =	sshrl.u32 s7, $0x3;
	s0 =	sadd.s32 $0x400, s0  }
0x10: {  	[dreg:$0x5] =	wrdreg s26;
	s28 =	sshrl.u32 s25, $0x3;
	s4 =	sshrl.u32 s30, $0x3  }
0x11: {  	s7 =	sadd.s32 s31, s1;
	[dreg:$0x4] =	wrdreg s0;
	s0 =	sshrl.u32 s29, $0x3  }
0x12: {  	s6 =	sadd.s32 s28, s1;
	s9 =	sadd.s32 s4, s1;
	s8 =	sadd.s32 s0, s1  }
.LBB2_1:
0x13: {  	s0 =	rddreg [dreg:$0x4];
	s25 =	simm.s32 $0x9  }
0x14: {  	[tilespmem:s3], [sflag:$0x9] =	stream.linear.gather [hbm4b:s0+s3], $0x6400, $0x38;
	[tilespmem:$0x16400] =	vst v63  }
0x15: {  	_ =	swait.ge [sflag:s25], $0x6400  }
0x16: {  	[sflag:s25] =	ssyncset.done $0x0  }
0x17: {  	[sflag:s25] =	ssyncadd.s32 $0xFFFF9C00  }
0x18: {  	[tilespmem:s12], [sflag:$0x1] =	stream.indirect.gather [hbm4b:s2+s11], $0x80, s3, s11, $0xb8;
	[tilespmem:$0x16400] =	vst v63  }
0x19: {  	_ = 	snop  }
0x1a: {  	[tilespmem:s13], [sflag:$0x2] =	stream.indirect.gather [hbm4b:s2+s11], $0x80, s11, s11, $0xb8;
	[tilespmem:$0x16400] =	vst v63  }
0x1b: {  	_ =	swait.ge [sflag:s14], $0x4000  }
0x1c: {  	p0 =	por $0x1, $0x1;
	[sflag:s14] =	ssyncset.done $0x0  }
0x1d: {  	s0 =	simm.s32 @!p0 $0x7;
	[sflag:s14] =	ssyncadd.s32 $0xFFFFC000  }
0x1e: {  	[hbm4b:s7+s3] =	stream.linear.scatter [tilespmem:s12], [sflag:$0x5], $0x4000, $0x38;
	[tilespmem:$0x16400] =	vst v63  }
0x1f: {  	_ =	swait.ge @!p0 [sflag:s0], $0x4000  }
0x20: {  	[sflag:s0] =	ssyncset.done @!p0 $0x0  }
0x21: {  	s1 =	simm.s32 $0x100;
	[sflag:s0] =	ssyncadd.s32 @!p0 $0xFFFFC000  }
0x22: {  	[tilespmem:s15], [sflag:$0x3] =	stream.indirect.gather [hbm4b:s2+s11], $0x80, s1, s11, $0xb8;
	[tilespmem:$0x16400] =	vst v63  }
0x23: {  	_ =	swait.ge [sflag:s16], $0x4000  }
0x24: {  	[sflag:s16] =	ssyncset.done $0x0  }
0x25: {  	s0 =	simm.s32 @!p0 $0x8;
	[sflag:s16] =	ssyncadd.s32 $0xFFFFC000  }
0x26: {  	[hbm4b:s6+s3] =	stream.linear.scatter [tilespmem:s13], [sflag:$0x6], $0x4000, $0x38;
	[tilespmem:$0x16400] =	vst v63  }
0x27: {  	_ =	swait.ge @!p0 [sflag:s0], $0x4000  }
0x28: {  	[sflag:s0] =	ssyncset.done @!p0 $0x0  }
0x29: {  	s26 =	simm.s32 $0x180;
	[sflag:s0] =	ssyncadd.s32 @!p0 $0xFFFFC000  }
0x2a: {  	[tilespmem:s17], [sflag:$0x4] =	stream.indirect.gather [hbm4b:s2+s11], $0x80, s26, s11, $0xb8;
	[tilespmem:$0x16400] =	vst v63  }
0x2b: {  	_ =	swait.ge [sflag:s18], $0x4000  }
0x2c: {  	[sflag:s18] =	ssyncset.done $0x0  }
0x2d: {  	[sflag:s18] =	ssyncadd.s32 $0xFFFFC000  }
0x2e: {  	[hbm4b:s9+s3] =	stream.linear.scatter [tilespmem:s15], [sflag:$0x7], $0x4000, $0x38;
	[tilespmem:$0x16400] =	vst v63  }
0x2f: {  	p0 =	por $0x0, $0x0;
	_ =	swait.ge [sflag:s19], $0x4000  }
0x30: {  	s0 =	simm.s32 @!p0 $0x6400;
	[sflag:s19] =	ssyncset.done $0x0  }
0x31: {  	s1 =	simm.s32 @!p0 $0x200;
	s4 =	simm.s32 @!p0 $0x80;
	[sflag:s19] =	ssyncadd.s32 $0xFFFFC000  }
0x32: {  	[tilespmem:s0], [sflag:$0x1] =	stream.indirect.gather @!p0 [hbm4b:s2+s4], $0x80, s1, s4, $0xb8;
	[tilespmem:$0x16400] =	vst v63  }
0x33: {  	s28 =	sadd.s32 $0x2000, s9;
	s29 =	sadd.s32 $0x2000, s8;
	_ =	swait.ge [sflag:s20], $0x4000  }
0x34: {  	p1 =	por $0x0, $0x0;
	s30 =	sadd.s32 $0x2000, s7;
	[sflag:s20] =	ssyncset.done $0x0  }
0x35: {  	s31 =	smov.u32 s6;
	s5 =	simm.s32 @!p1 $0xA400;
	[sflag:s20] =	ssyncadd.s32 $0xFFFFC000  }
0x36: {  	[hbm4b:s8+s3] =	stream.linear.scatter [tilespmem:s17], [sflag:$0x8], $0x4000, $0x38;
	[tilespmem:$0x16400] =	vst v63  }
0x37: {  	s10 =	simm.s32 @!p1 $0x280;
	s22 =	simm.s32 @!p1 $0x80;
	_ =	swait.ge [sflag:s21], $0x4000  }
0x38: {  	s25 =	simm.s32 $0x800;
	s26 =	simm.s32 $0x7;
	[sflag:s21] =	ssyncset.done $0x0  }
.LBB2_2:
0x39: {  	[sflag:s21] =	ssyncadd.s32 $0xFFFFC000;
	s31 =	sadd.s32 $0x2000, s31;
	s0 =	smov.u32 s25  }
0x3a: {  	s25 =	sadd.s32 $0x800, s25;
	s4 =	smov.u32 s26;
	s1 =	smov.u32 s29  }
0x3b: {  	[tilespmem:s5], [sflag:$0x2] =	stream.indirect.gather @!p1 [hbm4b:s2+s22], $0x80, s10, s22, $0xb8;
	[tilespmem:$0x16400] =	vst v63  }
0x3c: {  	p0 =	sne.s32 s25, $0x19000;
	_ =	swait.ge [sflag:s14], $0x4000  }
0x3d: {  	p1 =	seq.s32 s0, $0x0;
	[sflag:s14] =	ssyncset.done $0x0  }
0x3e: {  	s5 =	simm.s32 @!p1 $0x7;
	[sflag:s14] =	ssyncadd.s32 $0xFFFFC000  }
0x3f: {  	[hbm4b:s30+s3] =	stream.linear.scatter [tilespmem:s12], [sflag:$0x5], $0x4000, $0x38;
	[tilespmem:$0x16400] =	vst v63  }
0x40: {  	s10 =	sshra.s32 s0, $0x2;
	_ =	swait.ge @!p1 [sflag:s5], $0x4000  }
0x41: {  	s22 =	sadd.s32 $0x100, s10;
	[sflag:s5] =	ssyncset.done @!p1 $0x0  }
0x42: {  	[sflag:s5] =	ssyncadd.s32 @!p1 $0xFFFFC000  }
0x43: {  	[tilespmem:s15], [sflag:$0x3] =	stream.indirect.gather [hbm4b:s2+s11], $0x80, s22, s11, $0xb8;
	[tilespmem:$0x16400] =	vst v63  }
0x44: {  	_ =	swait.ge [sflag:s16], $0x4000  }
0x45: {  	[sflag:s16] =	ssyncset.done $0x0  }
0x46: {  	s5 =	simm.s32 @!p1 $0x8;
	[sflag:s16] =	ssyncadd.s32 $0xFFFFC000  }
0x47: {  	[hbm4b:s31+s3] =	stream.linear.scatter [tilespmem:s13], [sflag:$0x6], $0x4000, $0x38;
	[tilespmem:$0x16400] =	vst v63  }
0x48: {  	_ =	swait.ge @!p1 [sflag:s5], $0x4000  }
0x49: {  	s10 =	sadd.s32 $0x180, s10;
	[sflag:s5] =	ssyncset.done @!p1 $0x0  }
0x4a: {  	[sflag:s5] =	ssyncadd.s32 @!p1 $0xFFFFC000  }
0x4b: {  	[tilespmem:s17], [sflag:$0x4] =	stream.indirect.gather [hbm4b:s2+s11], $0x80, s10, s11, $0xb8;
	[tilespmem:$0x16400] =	vst v63  }
0x4c: {  	_ =	swait.ge [sflag:s18], $0x4000  }
0x4d: {  	[sflag:s18] =	ssyncset.done $0x0  }
0x4e: {  	s5 =	sadd.s32 $0xFFFFFFFF, s26;
	[sflag:s18] =	ssyncadd.s32 $0xFFFFC000  }
0x4f: {  	[hbm4b:s28+s3] =	stream.linear.scatter [tilespmem:s15], [sflag:$0x7], $0x4000, $0x38;
	[tilespmem:$0x16400] =	vst v63  }
0x50: {  	p1 =	sgt.u32 s5, $0xC5;
	_ =	swait.ge [sflag:s19], $0x4000  }
0x51: {  	s5 =	sshra.s32 @!p1 s0, $0x2;
	s10 =	simm.s32 @!p1 $0x6400;
	[sflag:s19] =	ssyncset.done $0x0  }
0x52: {  	s22 =	simm.s32 @!p1 $0x80;
	s5 =	sadd.s32 @!p1 $0x200, s5;
	[sflag:s19] =	ssyncadd.s32 $0xFFFFC000  }
0x53: {  	[tilespmem:s10], [sflag:$0x1] =	stream.indirect.gather @!p1 [hbm4b:s2+s22], $0x80, s5, s22, $0xb8;
	[tilespmem:$0x16400] =	vst v63  }
0x54: {  	s26 =	sadd.s32 $0x4, s26;
	s28 =	sadd.s32 $0x2000, s28;
	_ =	swait.ge [sflag:s20], $0x4000  }
.Ltmp0:
0x55: {  	s29 =	sadd.s32 $0x2000, s29;
	[sflag:s20] =	ssyncset.done $0x0;
	(pc) =	sbr.rel @p0 .LBB2_2-.Ltmp0, $4  }
0x56: {  	s30 =	sadd.s32 $0x2000, s30;
	p1 =	sgt.u32 s4, $0xC5;
	[sflag:s20] =	ssyncadd.s32 $0xFFFFC000  }
0x57: {  	[hbm4b:s1+s3] =	stream.linear.scatter [tilespmem:s17], [sflag:$0x8], $0x4000, $0x38;
	[tilespmem:$0x16400] =	vst v63  }
0x58: {  	s0 =	sshra.s32 @!p1 s0, $0x2;
	s5 =	simm.s32 @!p1 $0xA400;
	_ =	swait.ge [sflag:s21], $0x4000  }
0x59: {  	s22 =	simm.s32 @!p1 $0x80;
	s10 =	sadd.s32 @!p1 $0x280, s0;
	[sflag:s21] =	ssyncset.done $0x0  }
0x5a: {  	[sflag:s21] =	ssyncadd.s32 $0xFFFFC000;
	s0 =	simm.s32 $0x7  }
0x5b: {  	[tilespmem:s5], [sflag:$0x2] =	stream.indirect.gather @!p1 [hbm4b:s2+s22], $0x80, s10, s22, $0xb8;
	[tilespmem:$0x16400] =	vst v63  }
0x5c: {  	_ =	swait.ge [sflag:s0], $0x4000  }
0x5d: {  	[sflag:s0] =	ssyncset.done $0x0  }
0x5e: {  	[sflag:s0] =	ssyncadd.s32 $0xFFFFC000  }
0x5f: {  	_ =	swait.ge [sflag:s23], $0x4000  }
0x60: {  	s24 =	sadd.s32 $0x1, s24;
	s31 =	rddreg [dreg:$0x5]  }
0x61: {  	p0 =	sne.s32 s24, s31  }
.Ltmp1:
0x62: {  	_ = 	snop;
	(pc) =	sbr.rel @p0 .LBB2_1-.Ltmp1, $3  }
0x63: {  	_ =	sdelay $0x1  }
0x64: {  	[sflag:s23] =	ssyncset.done $0x0  }
0x65: {  	[sflag:s23] =	ssyncadd.s32 $0xFFFFC000  }
0x66: {  	_ =	sfence.sel $0x180000  }
0x67: {  	[bflag:$0x0] =	sbarrier.arrive $0xFFFF  }
0x68: {  	_ =	strace $0x90000047  }
0x69: {  	s0 =	stileid.u32;
	[bflag:$0x2] =	sbarrier.arrive $0xFFFF  }
0x6a: {  	p0 =	sne.s32 s0, $0x0;
	s0 =	rddreg [dreg:$0x3]  }
0x6b: {  	s0 =	sadd.s32 @!p0 $0x100000, s0  }
0x6c: {  	[sflag:s0] =	ssyncadd.tile.s32 @!p0 $0x1;
	_ =	shalt  }
.Lfunc_end2:
_tile_overlayer_lowered:
.L_overlay_start_2:
0x6d: {  	(tag) =	ssettag $0x2  }
0x6e: {  	s0 =	rddreg [dreg:$0x0];
	s2 =	stileid.u32  }
0x6f: {  	s1 =	rddreg [dreg:$0x1];
	p0 =	sne.s32 s2, $0x0  }
0x70: {  	s3 =	rddreg [dreg:$0x2];
	[bflag:$0x3] =	sbarrier.arrive $0xFFFF;
	s2 =	simm.s32 @!p0 $0x1C09  }
0x71: {  	[timem:s3], [sflag:s2] =	dma.local @!p0 [hbm:s0], s1  }
0x72: {  	s0 =	simm.s32 @!p0 $0x9  }
0x73: {  	_ =	swait.ge @!p0 [sflag:s0], s1  }
0x74: {  	s1 =	ssub.s32 @!p0 $0x0, s1;
	[sflag:s0] =	ssyncset.done @!p0 $0x0  }
0x75: {  	[sflag:s0] =	ssyncadd.s32 @!p0 s1  }
0x76: {  	[bflag:$0x3] =	sbarrier.arrive $0xFFFF  }
0x77: {  	_ =	shalt  }

</sc_bundles>
